<compile_context>
chip_gen: v7x
topology: tpu7x:2x2x1
jax: 0.10.2.dev20260603
libtpu: 0.0.44.dev20260713+nightly
codegen_flags: <defaults>
</compile_context>

<pallas_src>
import functools

import jax
import jax.numpy as jnp
from jax import lax
from jax.experimental import pallas as pl
from jax.experimental.pallas import tpu as pltpu
from jax.experimental.pallas import tpu_sc as plsc

N_TIME = 8192
N_SPACE = 1024
BATCH = 16384

_L = 16
_NW = 32
_BPW = BATCH // _NW
_VECS = _BPW // _L


def _phys_idx(i, j):
    return (lax.shift_left(lax.shift_right_logical(i, 3), 13)
            | lax.shift_left(lax.shift_right_logical(j, 7), 10)
            | lax.shift_left(lax.bitwise_and(i, 7), 7)
            | lax.bitwise_and(j, 127))


def _sc_body(tp_hbm, sp_hbm, t_hbm, s_hbm, obs_hbm, alpha_hbm, beta_hbm,
             out_hbm, tp_v, sp_v, t_v, s_v, iobs_v, ialpha_v, oval_v,
             aval_v, out_v, beta_v, zidx_v, sem_in, sem_b, sems):
    wid = lax.axis_index("s") * 2 + lax.axis_index("c")
    base = wid * _BPW

    zidx_v[...] = lax.iota(jnp.int32, _L) * 0
    beta_cp = pltpu.async_copy(beta_hbm.at[zidx_v], beta_v, sem_b)
    stage = [
        pltpu.async_copy(tp_hbm.at[pl.ds(base, _BPW)], tp_v, sem_in),
        pltpu.async_copy(sp_hbm.at[pl.ds(base, _BPW)], sp_v, sem_in),
        pltpu.async_copy(t_hbm.at[pl.ds(base, _BPW)], t_v, sem_in),
        pltpu.async_copy(s_hbm.at[pl.ds(base, _BPW)], s_v, sem_in),
    ]
    for cp in stage:
        cp.wait()

    def _build(i, _):
        b = i * _L
        tpv = tp_v[pl.ds(b, _L)]
        spv = sp_v[pl.ds(b, _L)]
        sv = s_v[pl.ds(b, _L)]
        iobs_v[pl.ds(b, _L)] = _phys_idx(tpv, spv)
        ialpha_v[pl.ds(b, _L)] = _phys_idx(spv, sv)
        return _
    lax.fori_loop(0, _VECS, _build, None, unroll=2)
    cp_o = pltpu.async_copy(obs_hbm.at[iobs_v], oval_v, sems.at[0])
    cp_a = pltpu.async_copy(alpha_hbm.at[ialpha_v], aval_v, sems.at[1])

    beta_cp.wait()
    betav = beta_v[...]
    cp_o.wait()
    cp_a.wait()

    def _combine(i, _):
        b = i * _L
        of = oval_v[pl.ds(b, _L)].astype(jnp.float32)
        av = aval_v[pl.ds(b, _L)]
        tv = t_v[pl.ds(b, _L)]
        tpf = tp_v[pl.ds(b, _L)].astype(jnp.float32)
        out_v[pl.ds(b, _L)] = (
            av * of * betav * jnp.exp(-betav * jnp.abs(tv - tpf)))
        return _
    lax.fori_loop(0, _VECS, _combine, None, unroll=2)

    pltpu.sync_copy(out_v, out_hbm.at[pl.ds(base, _BPW)])


@functools.lru_cache(maxsize=1)
def _build_sc_kernel():
    mesh = plsc.VectorSubcoreMesh(core_axis_name="c", subcore_axis_name="s")
    return pl.kernel(
        _sc_body,
        mesh=mesh,
        out_type=jax.ShapeDtypeStruct((BATCH,), jnp.float32),
        scratch_types=[
            pltpu.VMEM((_BPW,), jnp.int32),
            pltpu.VMEM((_BPW,), jnp.int32),
            pltpu.VMEM((_BPW,), jnp.float32),
            pltpu.VMEM((_BPW,), jnp.int32),
            pltpu.VMEM((_BPW,), jnp.int32),
            pltpu.VMEM((_BPW,), jnp.int32),
            pltpu.VMEM((_BPW,), jnp.int32),
            pltpu.VMEM((_BPW,), jnp.float32),
            pltpu.VMEM((_BPW,), jnp.float32),
            pltpu.VMEM((_L,), jnp.float32),
            pltpu.VMEM((_L,), jnp.int32),
            pltpu.SemaphoreType.DMA,
            pltpu.SemaphoreType.DMA,
            pltpu.SemaphoreType.DMA((2,)),
        ],
    )


def kernel(tp, sp, t, s, obs, alpha, beta):
    sc = _build_sc_kernel()
    tp32 = tp.astype(jnp.int32)
    sp32 = sp.astype(jnp.int32)
    s32 = s.astype(jnp.int32)
    obs_flat = (obs.astype(jnp.int32).reshape(N_TIME // 8, 8, N_SPACE // 128, 128)
                .transpose(0, 2, 1, 3).reshape(-1))
    alpha_flat = (alpha.astype(jnp.float32).reshape(N_SPACE // 8, 8, N_SPACE // 128, 128)
                  .transpose(0, 2, 1, 3).reshape(-1))
    return sc(tp32, sp32, t.astype(jnp.float32), s32, obs_flat, alpha_flat,
              beta.astype(jnp.float32))

# --- scband reference (transcript-rebuilt; emitter-appended) ---
"""Pipeline reference for scband-discrete-exponential-kernel-36782099923576 (READ-ONLY COPY).

The authoritative reference and input builder live on the scoring server;
editing this copy changes nothing except your own understanding.
"""

import jax, jax.numpy as jnp
import numpy as np

N_TIME = 8192
N_SPACE = 1024
BATCH = 16384

def setup_inputs(seed: int = 0) -> dict:
    key = jax.random.key(seed)
    k_obs, k_alpha, k_tp, k_sp, k_t, k_s = jax.random.split(key, 6)
    obs = jax.random.randint(k_obs, (N_TIME, N_SPACE), 0, 100, dtype=jnp.int64) if jax.config.jax_enable_x64 else jax.random.randint(k_obs, (N_TIME, N_SPACE), 0, 100, dtype=jnp.int32)
    alpha = jax.random.normal(k_alpha, (N_SPACE, N_SPACE), dtype=jnp.float32)
    beta = jnp.ones((1,), dtype=jnp.float32)
    tp = jax.random.randint(k_tp, (BATCH,), 0, N_TIME)
    sp = jax.random.randint(k_sp, (BATCH,), 0, N_SPACE)
    t = jax.random.uniform(k_t, (BATCH,), dtype=jnp.float32) * float(N_TIME)
    s = jax.random.randint(k_s, (BATCH,), 0, N_SPACE)
    return {"tp": tp, "sp": sp, "t": t, "s": s, "obs": obs, "alpha": alpha, "beta": beta}

def reference(tp, sp, t, s, obs, alpha, beta):
    # obs_ = self.obs[tp, sp]  (gather from 2D observation table)
    obs_ = obs[tp, sp].astype(jnp.float32)
    # alpha_ = self.alpha[sp, s] (gather from 2D kernel weight table)
    alpha_ = alpha[sp, s]
    # val = alpha_ * obs_ * beta * exp(-beta * |t - tp|)
    val = alpha_ * obs_ * beta * jnp.exp(-beta * jnp.abs(t - tp.astype(jnp.float32)))
    return val

if __name__ == "__main__":
    import jax
    _d = setup_inputs()
    print(jax.jit(kernel)(*tuple(_d.values())))

</pallas_src>

<mosaic_0001>
#map = affine_map<(d0, d1) -> (0)>
module attributes {stable_mosaic.version = 14 : i64} {
  func.func @_sc_body(%arg0: i32, %arg1: i32, %arg2: memref<16384xi32, #tpu.memory_space<hbm>>, %arg3: memref<16384xi32, #tpu.memory_space<hbm>>, %arg4: memref<16384xf32, #tpu.memory_space<hbm>>, %arg5: memref<16384xi32, #tpu.memory_space<hbm>>, %arg6: memref<8388608xi32, #tpu.memory_space<hbm>>, %arg7: memref<1048576xf32, #tpu.memory_space<hbm>>, %arg8: memref<1xf32, #tpu.memory_space<hbm>>, %arg9: memref<16384xf32, #tpu.memory_space<hbm>>, %arg10: memref<512xi32, #tpu.memory_space<vmem>>, %arg11: memref<512xi32, #tpu.memory_space<vmem>>, %arg12: memref<512xf32, #tpu.memory_space<vmem>>, %arg13: memref<512xi32, #tpu.memory_space<vmem>>, %arg14: memref<512xi32, #tpu.memory_space<vmem>>, %arg15: memref<512xi32, #tpu.memory_space<vmem>>, %arg16: memref<512xi32, #tpu.memory_space<vmem>>, %arg17: memref<512xf32, #tpu.memory_space<vmem>>, %arg18: memref<512xf32, #tpu.memory_space<vmem>>, %arg19: memref<16xf32, #tpu.memory_space<vmem>>, %arg20: memref<16xi32, #tpu.memory_space<vmem>>, %arg21: memref<!tpu.dma_semaphore, #tpu.memory_space<semaphore_mem>>, %arg22: memref<!tpu.dma_semaphore, #tpu.memory_space<semaphore_mem>>, %arg23: memref<2x!tpu.dma_semaphore, #tpu.memory_space<semaphore_mem>>) attributes {dimension_semantics = [#tpu.dimension_semantics<core_parallel>, #tpu.dimension_semantics<subcore_parallel>], iteration_bounds = array<i64: 2, 16>, scalar_prefetch = 0 : i64, scratch_operands = 14 : i64, tpu.core_type = #tpu.core_type<sc_vector_subcore>, window_params = [{transform_indices = #map}, {transform_indices = #map}, {transform_indices = #map}, {transform_indices = #map}, {transform_indices = #map}, {transform_indices = #map}, {transform_indices = #map}, {transform_indices = #map}]} {
    %mul3A = arith.constant 2 : i32
    %mul3A_0 = arith.muli %arg1, %mul3A : i32
    %add3A = arith.addi %mul3A_0, %arg0 : i32
    %mul3A_1 = arith.constant 512 : i32
    %mul3A_2 = arith.muli %add3A, %mul3A_1 : i32
    %iota3A = tpu.iota {dimensions = array<i32: 0>} : vector<16xi32>
    %mul3A_3 = arith.constant 0 : i32
    %mul3A_4 = vector.broadcast %mul3A_3 : i32 to vector<16xi32>
    %mul3A_5 = arith.muli %iota3A, %mul3A_4 : vector<16xi32>
    %swap3A = arith.constant 0 : index
    %swap3A_6 = tpu.vector_load %arg20[%swap3A] {strides = array<i32>} : memref<16xi32, #tpu.memory_space<vmem>>, vector<16xi32>,
    %swap3A_7 = vector.shape_cast %swap3A_6 : vector<16xi32> to vector<16xi32>
    %swap3A_8 = vector.shape_cast %mul3A_5 : vector<16xi32> to vector<16xi32>
    tpu.vector_store %arg20[%swap3A], %swap3A_8 {strides = array<i32>} : memref<16xi32, #tpu.memory_space<vmem>>, vector<16xi32>,
    %dma_start3A = arith.constant 0 : i32
    %dma_start3A_9 = tpu.memref_slice %arg8[%dma_start3A] : memref<1xf32, #tpu.memory_space<hbm>> -> memref<1xf32, #tpu.memory_space<hbm>>
    tpu.enqueue_indirect_dma source(%dma_start3A_9 : memref<1xf32, #tpu.memory_space<hbm>>) target(%arg19 : memref<16xf32, #tpu.memory_space<vmem>>) offsets(%arg20 : memref<16xi32, #tpu.memory_space<vmem>>) semaphore(%arg22 : memref<!tpu.dma_semaphore, #tpu.memory_space<semaphore_mem>>)
    %dma_start3A_10 = tpu.memref_slice %arg2[%mul3A_2] : memref<16384xi32, #tpu.memory_space<hbm>> -> memref<512xi32, #tpu.memory_space<hbm>>
    %dma_start3A_11 = tpu.memref_slice %arg2[%mul3A_2] : memref<16384xi32, #tpu.memory_space<hbm>> -> memref<512xi32, #tpu.memory_space<hbm>>
    tpu.enqueue_dma source(%dma_start3A_11 : memref<512xi32, #tpu.memory_space<hbm>>) target(%arg10 : memref<512xi32, #tpu.memory_space<vmem>>) target_semaphore(%arg21 : memref<!tpu.dma_semaphore, #tpu.memory_space<semaphore_mem>>)
    %dma_start3A_12 = tpu.memref_slice %arg3[%mul3A_2] : memref<16384xi32, #tpu.memory_space<hbm>> -> memref<512xi32, #tpu.memory_space<hbm>>
    %dma_start3A_13 = tpu.memref_slice %arg3[%mul3A_2] : memref<16384xi32, #tpu.memory_space<hbm>> -> memref<512xi32, #tpu.memory_space<hbm>>
    tpu.enqueue_dma source(%dma_start3A_13 : memref<512xi32, #tpu.memory_space<hbm>>) target(%arg11 : memref<512xi32, #tpu.memory_space<vmem>>) target_semaphore(%arg21 : memref<!tpu.dma_semaphore, #tpu.memory_space<semaphore_mem>>)
    %dma_start3A_14 = tpu.memref_slice %arg4[%mul3A_2] : memref<16384xf32, #tpu.memory_space<hbm>> -> memref<512xf32, #tpu.memory_space<hbm>>
    %dma_start3A_15 = tpu.memref_slice %arg4[%mul3A_2] : memref<16384xf32, #tpu.memory_space<hbm>> -> memref<512xf32, #tpu.memory_space<hbm>>
    tpu.enqueue_dma source(%dma_start3A_15 : memref<512xf32, #tpu.memory_space<hbm>>) target(%arg12 : memref<512xf32, #tpu.memory_space<vmem>>) target_semaphore(%arg21 : memref<!tpu.dma_semaphore, #tpu.memory_space<semaphore_mem>>)
    %dma_start3A_16 = tpu.memref_slice %arg5[%mul3A_2] : memref<16384xi32, #tpu.memory_space<hbm>> -> memref<512xi32, #tpu.memory_space<hbm>>
    %dma_start3A_17 = tpu.memref_slice %arg5[%mul3A_2] : memref<16384xi32, #tpu.memory_space<hbm>> -> memref<512xi32, #tpu.memory_space<hbm>>
    tpu.enqueue_dma source(%dma_start3A_17 : memref<512xi32, #tpu.memory_space<hbm>>) target(%arg13 : memref<512xi32, #tpu.memory_space<vmem>>) target_semaphore(%arg21 : memref<!tpu.dma_semaphore, #tpu.memory_space<semaphore_mem>>)
    %dma_wait3A = tpu.memref_slice %arg2[%mul3A_2] : memref<16384xi32, #tpu.memory_space<hbm>> -> memref<512xi32, #tpu.memory_space<hbm>>
    %dma_wait3A_18 = tpu.memref_slice %arg2[%mul3A_2] : memref<16384xi32, #tpu.memory_space<hbm>> -> memref<512xi32, #tpu.memory_space<hbm>>
    tpu.wait_dma2 semaphore(%arg21 : memref<!tpu.dma_semaphore, #tpu.memory_space<semaphore_mem>>) src(%dma_wait3A_18 : memref<512xi32, #tpu.memory_space<hbm>>) dst(%arg10 : memref<512xi32, #tpu.memory_space<vmem>>)
    %dma_wait3A_19 = tpu.memref_slice %arg3[%mul3A_2] : memref<16384xi32, #tpu.memory_space<hbm>> -> memref<512xi32, #tpu.memory_space<hbm>>
    %dma_wait3A_20 = tpu.memref_slice %arg3[%mul3A_2] : memref<16384xi32, #tpu.memory_space<hbm>> -> memref<512xi32, #tpu.memory_space<hbm>>
    tpu.wait_dma2 semaphore(%arg21 : memref<!tpu.dma_semaphore, #tpu.memory_space<semaphore_mem>>) src(%dma_wait3A_20 : memref<512xi32, #tpu.memory_space<hbm>>) dst(%arg11 : memref<512xi32, #tpu.memory_space<vmem>>)
    %dma_wait3A_21 = tpu.memref_slice %arg4[%mul3A_2] : memref<16384xf32, #tpu.memory_space<hbm>> -> memref<512xf32, #tpu.memory_space<hbm>>
    %dma_wait3A_22 = tpu.memref_slice %arg4[%mul3A_2] : memref<16384xf32, #tpu.memory_space<hbm>> -> memref<512xf32, #tpu.memory_space<hbm>>
    tpu.wait_dma2 semaphore(%arg21 : memref<!tpu.dma_semaphore, #tpu.memory_space<semaphore_mem>>) src(%dma_wait3A_22 : memref<512xf32, #tpu.memory_space<hbm>>) dst(%arg12 : memref<512xf32, #tpu.memory_space<vmem>>)
    %dma_wait3A_23 = tpu.memref_slice %arg5[%mul3A_2] : memref<16384xi32, #tpu.memory_space<hbm>> -> memref<512xi32, #tpu.memory_space<hbm>>
    %dma_wait3A_24 = tpu.memref_slice %arg5[%mul3A_2] : memref<16384xi32, #tpu.memory_space<hbm>> -> memref<512xi32, #tpu.memory_space<hbm>>
    tpu.wait_dma2 semaphore(%arg21 : memref<!tpu.dma_semaphore, #tpu.memory_space<semaphore_mem>>) src(%dma_wait3A_24 : memref<512xi32, #tpu.memory_space<hbm>>) dst(%arg13 : memref<512xi32, #tpu.memory_space<vmem>>)
    %scan3A = arith.constant 0 : i32
    %scan3A_25 = arith.constant 32 : i32
    %scan3A_26 = arith.addi %scan3A, %scan3A_25 : i32
    %scan3A_27 = arith.constant 2 : i32
    scf.for %scan3A_58 = %scan3A to %scan3A_26 step %scan3A_27  : i32 {
      %mul3A_59 = arith.constant 16 : i32
      %mul3A_60 = arith.muli %scan3A_58, %mul3A_59 : i32
      %get3A_61 = arith.index_cast %mul3A_60 : i32 to index
      %get3A_62 = tpu.vector_load %arg10[%get3A_61] {strides = array<i32>} : memref<512xi32, #tpu.memory_space<vmem>>, vector<16xi32>,
      %get3A_63 = vector.shape_cast %get3A_62 : vector<16xi32> to vector<16xi32>
      %get3A_64 = arith.index_cast %mul3A_60 : i32 to index
      %get3A_65 = tpu.vector_load %arg11[%get3A_64] {strides = array<i32>} : memref<512xi32, #tpu.memory_space<vmem>>, vector<16xi32>,
      %get3A_66 = vector.shape_cast %get3A_65 : vector<16xi32> to vector<16xi32>
      %get3A_67 = arith.index_cast %mul3A_60 : i32 to index
      %get3A_68 = tpu.vector_load %arg13[%get3A_67] {strides = array<i32>} : memref<512xi32, #tpu.memory_space<vmem>>, vector<16xi32>,
      %get3A_69 = vector.shape_cast %get3A_68 : vector<16xi32> to vector<16xi32>
      %shift_right_logical3A = arith.constant 3 : i32
      %shift_right_logical3A_70 = vector.broadcast %shift_right_logical3A : i32 to vector<16xi32>
      %shift_right_logical3A_71 = arith.shrui %get3A_63, %shift_right_logical3A_70 : vector<16xi32>
      %shift_left3A = arith.constant 13 : i32
      %shift_left3A_72 = vector.broadcast %shift_left3A : i32 to vector<16xi32>
      %shift_left3A_73 = arith.shli %shift_right_logical3A_71, %shift_left3A_72 : vector<16xi32>
      %shift_right_logical3A_74 = arith.constant 7 : i32
      %shift_right_logical3A_75 = vector.broadcast %shift_right_logical3A_74 : i32 to vector<16xi32>
      %shift_right_logical3A_76 = arith.shrui %get3A_66, %shift_right_logical3A_75 : vector<16xi32>
      %shift_left3A_77 = arith.constant 10 : i32
      %shift_left3A_78 = vector.broadcast %shift_left3A_77 : i32 to vector<16xi32>
      %shift_left3A_79 = arith.shli %shift_right_logical3A_76, %shift_left3A_78 : vector<16xi32>
      %or3A = arith.ori %shift_left3A_73, %shift_left3A_79 : vector<16xi32>
      %and3A = arith.constant 7 : i32
      %and3A_80 = vector.broadcast %and3A : i32 to vector<16xi32>
      %and3A_81 = arith.andi %get3A_63, %and3A_80 : vector<16xi32>
      %shift_left3A_82 = arith.constant 7 : i32
      %shift_left3A_83 = vector.broadcast %shift_left3A_82 : i32 to vector<16xi32>
      %shift_left3A_84 = arith.shli %and3A_81, %shift_left3A_83 : vector<16xi32>
      %or3A_85 = arith.ori %or3A, %shift_left3A_84 : vector<16xi32>
      %and3A_86 = arith.constant 127 : i32
      %and3A_87 = vector.broadcast %and3A_86 : i32 to vector<16xi32>
      %and3A_88 = arith.andi %get3A_66, %and3A_87 : vector<16xi32>
      %or3A_89 = arith.ori %or3A_85, %and3A_88 : vector<16xi32>
      %swap3A_90 = arith.index_cast %mul3A_60 : i32 to index
      %swap3A_91 = tpu.vector_load %arg14[%swap3A_90] {strides = array<i32>} : memref<512xi32, #tpu.memory_space<vmem>>, vector<16xi32>,
      %swap3A_92 = vector.shape_cast %swap3A_91 : vector<16xi32> to vector<16xi32>
      %swap3A_93 = vector.shape_cast %or3A_89 : vector<16xi32> to vector<16xi32>
      tpu.vector_store %arg14[%swap3A_90], %swap3A_93 {strides = array<i32>} : memref<512xi32, #tpu.memory_space<vmem>>, vector<16xi32>,
      %shift_right_logical3A_94 = arith.constant 3 : i32
      %shift_right_logical3A_95 = vector.broadcast %shift_right_logical3A_94 : i32 to vector<16xi32>
      %shift_right_logical3A_96 = arith.shrui %get3A_66, %shift_right_logical3A_95 : vector<16xi32>
      %shift_left3A_97 = arith.constant 13 : i32
      %shift_left3A_98 = vector.broadcast %shift_left3A_97 : i32 to vector<16xi32>
      %shift_left3A_99 = arith.shli %shift_right_logical3A_96, %shift_left3A_98 : vector<16xi32>
      %shift_right_logical3A_100 = arith.constant 7 : i32
      %shift_right_logical3A_101 = vector.broadcast %shift_right_logical3A_100 : i32 to vector<16xi32>
      %shift_right_logical3A_102 = arith.shrui %get3A_69, %shift_right_logical3A_101 : vector<16xi32>
      %shift_left3A_103 = arith.constant 10 : i32
      %shift_left3A_104 = vector.broadcast %shift_left3A_103 : i32 to vector<16xi32>
      %shift_left3A_105 = arith.shli %shift_right_logical3A_102, %shift_left3A_104 : vector<16xi32>
      %or3A_106 = arith.ori %shift_left3A_99, %shift_left3A_105 : vector<16xi32>
      %and3A_107 = arith.constant 7 : i32
      %and3A_108 = vector.broadcast %and3A_107 : i32 to vector<16xi32>
      %and3A_109 = arith.andi %get3A_66, %and3A_108 : vector<16xi32>
      %shift_left3A_110 = arith.constant 7 : i32
      %shift_left3A_111 = vector.broadcast %shift_left3A_110 : i32 to vector<16xi32>
      %shift_left3A_112 = arith.shli %and3A_109, %shift_left3A_111 : vector<16xi32>
      %or3A_113 = arith.ori %or3A_106, %shift_left3A_112 : vector<16xi32>
      %and3A_114 = arith.constant 127 : i32
      %and3A_115 = vector.broadcast %and3A_114 : i32 to vector<16xi32>
      %and3A_116 = arith.andi %get3A_69, %and3A_115 : vector<16xi32>
      %or3A_117 = arith.ori %or3A_113, %and3A_116 : vector<16xi32>
      %swap3A_118 = arith.index_cast %mul3A_60 : i32 to index
      %swap3A_119 = tpu.vector_load %arg15[%swap3A_118] {strides = array<i32>} : memref<512xi32, #tpu.memory_space<vmem>>, vector<16xi32>,
      %swap3A_120 = vector.shape_cast %swap3A_119 : vector<16xi32> to vector<16xi32>
      %swap3A_121 = vector.shape_cast %or3A_117 : vector<16xi32> to vector<16xi32>
      tpu.vector_store %arg15[%swap3A_118], %swap3A_121 {strides = array<i32>} : memref<512xi32, #tpu.memory_space<vmem>>, vector<16xi32>,
      %scan3A_122 = arith.constant 1 : i32
      %scan3A_123 = arith.addi %scan3A_58, %scan3A_122 : i32
      %mul3A_124 = arith.constant 16 : i32
      %mul3A_125 = arith.muli %scan3A_123, %mul3A_124 : i32
      %get3A_126 = arith.index_cast %mul3A_125 : i32 to index
      %get3A_127 = tpu.vector_load %arg10[%get3A_126] {strides = array<i32>} : memref<512xi32, #tpu.memory_space<vmem>>, vector<16xi32>,
      %get3A_128 = vector.shape_cast %get3A_127 : vector<16xi32> to vector<16xi32>
      %get3A_129 = arith.index_cast %mul3A_125 : i32 to index
      %get3A_130 = tpu.vector_load %arg11[%get3A_129] {strides = array<i32>} : memref<512xi32, #tpu.memory_space<vmem>>, vector<16xi32>,
      %get3A_131 = vector.shape_cast %get3A_130 : vector<16xi32> to vector<16xi32>
      %get3A_132 = arith.index_cast %mul3A_125 : i32 to index
      %get3A_133 = tpu.vector_load %arg13[%get3A_132] {strides = array<i32>} : memref<512xi32, #tpu.memory_space<vmem>>, vector<16xi32>,
      %get3A_134 = vector.shape_cast %get3A_133 : vector<16xi32> to vector<16xi32>
      %shift_right_logical3A_135 = arith.constant 3 : i32
      %shift_right_logical3A_136 = vector.broadcast %shift_right_logical3A_135 : i32 to vector<16xi32>
      %shift_right_logical3A_137 = arith.shrui %get3A_128, %shift_right_logical3A_136 : vector<16xi32>
      %shift_left3A_138 = arith.constant 13 : i32
      %shift_left3A_139 = vector.broadcast %shift_left3A_138 : i32 to vector<16xi32>
      %shift_left3A_140 = arith.shli %shift_right_logical3A_137, %shift_left3A_139 : vector<16xi32>
      %shift_right_logical3A_141 = arith.constant 7 : i32
      %shift_right_logical3A_142 = vector.broadcast %shift_right_logical3A_141 : i32 to vector<16xi32>
      %shift_right_logical3A_143 = arith.shrui %get3A_131, %shift_right_logical3A_142 : vector<16xi32>
      %shift_left3A_144 = arith.constant 10 : i32
      %shift_left3A_145 = vector.broadcast %shift_left3A_144 : i32 to vector<16xi32>
      %shift_left3A_146 = arith.shli %shift_right_logical3A_143, %shift_left3A_145 : vector<16xi32>
      %or3A_147 = arith.ori %shift_left3A_140, %shift_left3A_146 : vector<16xi32>
      %and3A_148 = arith.constant 7 : i32
      %and3A_149 = vector.broadcast %and3A_148 : i32 to vector<16xi32>
      %and3A_150 = arith.andi %get3A_128, %and3A_149 : vector<16xi32>
      %shift_left3A_151 = arith.constant 7 : i32
      %shift_left3A_152 = vector.broadcast %shift_left3A_151 : i32 to vector<16xi32>
      %shift_left3A_153 = arith.shli %and3A_150, %shift_left3A_152 : vector<16xi32>
      %or3A_154 = arith.ori %or3A_147, %shift_left3A_153 : vector<16xi32>
      %and3A_155 = arith.constant 127 : i32
      %and3A_156 = vector.broadcast %and3A_155 : i32 to vector<16xi32>
      %and3A_157 = arith.andi %get3A_131, %and3A_156 : vector<16xi32>
      %or3A_158 = arith.ori %or3A_154, %and3A_157 : vector<16xi32>
      %swap3A_159 = arith.index_cast %mul3A_125 : i32 to index
      %swap3A_160 = tpu.vector_load %arg14[%swap3A_159] {strides = array<i32>} : memref<512xi32, #tpu.memory_space<vmem>>, vector<16xi32>,
      %swap3A_161 = vector.shape_cast %swap3A_160 : vector<16xi32> to vector<16xi32>
      %swap3A_162 = vector.shape_cast %or3A_158 : vector<16xi32> to vector<16xi32>
      tpu.vector_store %arg14[%swap3A_159], %swap3A_162 {strides = array<i32>} : memref<512xi32, #tpu.memory_space<vmem>>, vector<16xi32>,
      %shift_right_logical3A_163 = arith.constant 3 : i32
      %shift_right_logical3A_164 = vector.broadcast %shift_right_logical3A_163 : i32 to vector<16xi32>
      %shift_right_logical3A_165 = arith.shrui %get3A_131, %shift_right_logical3A_164 : vector<16xi32>
      %shift_left3A_166 = arith.constant 13 : i32
      %shift_left3A_167 = vector.broadcast %shift_left3A_166 : i32 to vector<16xi32>
      %shift_left3A_168 = arith.shli %shift_right_logical3A_165, %shift_left3A_167 : vector<16xi32>
      %shift_right_logical3A_169 = arith.constant 7 : i32
      %shift_right_logical3A_170 = vector.broadcast %shift_right_logical3A_169 : i32 to vector<16xi32>
      %shift_right_logical3A_171 = arith.shrui %get3A_134, %shift_right_logical3A_170 : vector<16xi32>
      %shift_left3A_172 = arith.constant 10 : i32
      %shift_left3A_173 = vector.broadcast %shift_left3A_172 : i32 to vector<16xi32>
      %shift_left3A_174 = arith.shli %shift_right_logical3A_171, %shift_left3A_173 : vector<16xi32>
      %or3A_175 = arith.ori %shift_left3A_168, %shift_left3A_174 : vector<16xi32>
      %and3A_176 = arith.constant 7 : i32
      %and3A_177 = vector.broadcast %and3A_176 : i32 to vector<16xi32>
      %and3A_178 = arith.andi %get3A_131, %and3A_177 : vector<16xi32>
      %shift_left3A_179 = arith.constant 7 : i32
      %shift_left3A_180 = vector.broadcast %shift_left3A_179 : i32 to vector<16xi32>
      %shift_left3A_181 = arith.shli %and3A_178, %shift_left3A_180 : vector<16xi32>
      %or3A_182 = arith.ori %or3A_175, %shift_left3A_181 : vector<16xi32>
      %and3A_183 = arith.constant 127 : i32
      %and3A_184 = vector.broadcast %and3A_183 : i32 to vector<16xi32>
      %and3A_185 = arith.andi %get3A_134, %and3A_184 : vector<16xi32>
      %or3A_186 = arith.ori %or3A_182, %and3A_185 : vector<16xi32>
      %swap3A_187 = arith.index_cast %mul3A_125 : i32 to index
      %swap3A_188 = tpu.vector_load %arg15[%swap3A_187] {strides = array<i32>} : memref<512xi32, #tpu.memory_space<vmem>>, vector<16xi32>,
      %swap3A_189 = vector.shape_cast %swap3A_188 : vector<16xi32> to vector<16xi32>
      %swap3A_190 = vector.shape_cast %or3A_186 : vector<16xi32> to vector<16xi32>
      tpu.vector_store %arg15[%swap3A_187], %swap3A_190 {strides = array<i32>} : memref<512xi32, #tpu.memory_space<vmem>>, vector<16xi32>,
    }
    %scan3A_28 = arith.constant 32 : i32
    %dma_start3A_29 = arith.constant 0 : i32
    %dma_start3A_30 = arith.constant 0 : i32
    %dma_start3A_31 = tpu.memref_slice %arg6[%dma_start3A_30] : memref<8388608xi32, #tpu.memory_space<hbm>> -> memref<8388608xi32, #tpu.memory_space<hbm>>
    %dma_start3A_32 = tpu.memref_slice %arg23[%dma_start3A_29] : memref<2x!tpu.dma_semaphore, #tpu.memory_space<semaphore_mem>> -> memref<1x!tpu.dma_semaphore, #tpu.memory_space<semaphore_mem>>
    %dma_start3A_33 = tpu.memref_squeeze %dma_start3A_32 : memref<1x!tpu.dma_semaphore, #tpu.memory_space<semaphore_mem>> -> memref<!tpu.dma_semaphore, #tpu.memory_space<semaphore_mem>>
    tpu.enqueue_indirect_dma source(%dma_start3A_31 : memref<8388608xi32, #tpu.memory_space<hbm>>) target(%arg16 : memref<512xi32, #tpu.memory_space<vmem>>) offsets(%arg14 : memref<512xi32, #tpu.memory_space<vmem>>) semaphore(%dma_start3A_33 : memref<!tpu.dma_semaphore, #tpu.memory_space<semaphore_mem>>)
    %dma_start3A_34 = arith.constant 1 : i32
    %dma_start3A_35 = arith.constant 0 : i32
    %dma_start3A_36 = tpu.memref_slice %arg7[%dma_start3A_35] : memref<1048576xf32, #tpu.memory_space<hbm>> -> memref<1048576xf32, #tpu.memory_space<hbm>>
    %dma_start3A_37 = tpu.memref_slice %arg23[%dma_start3A_34] : memref<2x!tpu.dma_semaphore, #tpu.memory_space<semaphore_mem>> -> memref<1x!tpu.dma_semaphore, #tpu.memory_space<semaphore_mem>>
    %dma_start3A_38 = tpu.memref_squeeze %dma_start3A_37 : memref<1x!tpu.dma_semaphore, #tpu.memory_space<semaphore_mem>> -> memref<!tpu.dma_semaphore, #tpu.memory_space<semaphore_mem>>
    tpu.enqueue_indirect_dma source(%dma_start3A_36 : memref<1048576xf32, #tpu.memory_space<hbm>>) target(%arg17 : memref<512xf32, #tpu.memory_space<vmem>>) offsets(%arg15 : memref<512xi32, #tpu.memory_space<vmem>>) semaphore(%dma_start3A_38 : memref<!tpu.dma_semaphore, #tpu.memory_space<semaphore_mem>>)
    %dma_wait3A_39 = arith.constant 0 : i32
    %dma_wait3A_40 = tpu.memref_slice %arg8[%dma_wait3A_39] : memref<1xf32, #tpu.memory_space<hbm>> -> memref<1xf32, #tpu.memory_space<hbm>>
    tpu.wait_indirect_dma semaphore(%arg22 : memref<!tpu.dma_semaphore, #tpu.memory_space<semaphore_mem>>) src(%dma_wait3A_40 : memref<1xf32, #tpu.memory_space<hbm>>) dst(%arg19 : memref<16xf32, #tpu.memory_space<vmem>>)
    %get3A = arith.constant 0 : index
    %get3A_41 = tpu.vector_load %arg19[%get3A] {strides = array<i32>} : memref<16xf32, #tpu.memory_space<vmem>>, vector<16xf32>,
    %get3A_42 = vector.shape_cast %get3A_41 : vector<16xf32> to vector<16xf32>
    %dma_wait3A_43 = arith.constant 0 : i32
    %dma_wait3A_44 = arith.constant 0 : i32
    %dma_wait3A_45 = tpu.memref_slice %arg6[%dma_wait3A_44] : memref<8388608xi32, #tpu.memory_space<hbm>> -> memref<8388608xi32, #tpu.memory_space<hbm>>
    %dma_wait3A_46 = tpu.memref_slice %arg23[%dma_wait3A_43] : memref<2x!tpu.dma_semaphore, #tpu.memory_space<semaphore_mem>> -> memref<1x!tpu.dma_semaphore, #tpu.memory_space<semaphore_mem>>
    %dma_wait3A_47 = tpu.memref_squeeze %dma_wait3A_46 : memref<1x!tpu.dma_semaphore, #tpu.memory_space<semaphore_mem>> -> memref<!tpu.dma_semaphore, #tpu.memory_space<semaphore_mem>>
    tpu.wait_indirect_dma semaphore(%dma_wait3A_47 : memref<!tpu.dma_semaphore, #tpu.memory_space<semaphore_mem>>) src(%dma_wait3A_45 : memref<8388608xi32, #tpu.memory_space<hbm>>) dst(%arg16 : memref<512xi32, #tpu.memory_space<vmem>>)
    %dma_wait3A_48 = arith.constant 1 : i32
    %dma_wait3A_49 = arith.constant 0 : i32
    %dma_wait3A_50 = tpu.memref_slice %arg7[%dma_wait3A_49] : memref<1048576xf32, #tpu.memory_space<hbm>> -> memref<1048576xf32, #tpu.memory_space<hbm>>
    %dma_wait3A_51 = tpu.memref_slice %arg23[%dma_wait3A_48] : memref<2x!tpu.dma_semaphore, #tpu.memory_space<semaphore_mem>> -> memref<1x!tpu.dma_semaphore, #tpu.memory_space<semaphore_mem>>
    %dma_wait3A_52 = tpu.memref_squeeze %dma_wait3A_51 : memref<1x!tpu.dma_semaphore, #tpu.memory_space<semaphore_mem>> -> memref<!tpu.dma_semaphore, #tpu.memory_space<semaphore_mem>>
    tpu.wait_indirect_dma semaphore(%dma_wait3A_52 : memref<!tpu.dma_semaphore, #tpu.memory_space<semaphore_mem>>) src(%dma_wait3A_50 : memref<1048576xf32, #tpu.memory_space<hbm>>) dst(%arg17 : memref<512xf32, #tpu.memory_space<vmem>>)
    %scan3A_53 = arith.constant 0 : i32
    %scan3A_54 = arith.constant 32 : i32
    %scan3A_55 = arith.addi %scan3A_53, %scan3A_54 : i32
    %scan3A_56 = arith.constant 2 : i32
    scf.for %scan3A_58 = %scan3A_53 to %scan3A_55 step %scan3A_56  : i32 {
      %mul3A_59 = arith.constant 16 : i32
      %mul3A_60 = arith.muli %scan3A_58, %mul3A_59 : i32
      %get3A_61 = arith.index_cast %mul3A_60 : i32 to index
      %get3A_62 = tpu.vector_load %arg16[%get3A_61] {strides = array<i32>} : memref<512xi32, #tpu.memory_space<vmem>>, vector<16xi32>,
      %get3A_63 = vector.shape_cast %get3A_62 : vector<16xi32> to vector<16xi32>
      %convert_element_type3A = arith.sitofp %get3A_63 : vector<16xi32> to vector<16xf32>
      %get3A_64 = arith.index_cast %mul3A_60 : i32 to index
      %get3A_65 = tpu.vector_load %arg17[%get3A_64] {strides = array<i32>} : memref<512xf32, #tpu.memory_space<vmem>>, vector<16xf32>,
      %get3A_66 = vector.shape_cast %get3A_65 : vector<16xf32> to vector<16xf32>
      %get3A_67 = arith.index_cast %mul3A_60 : i32 to index
      %get3A_68 = tpu.vector_load %arg12[%get3A_67] {strides = array<i32>} : memref<512xf32, #tpu.memory_space<vmem>>, vector<16xf32>,
      %get3A_69 = vector.shape_cast %get3A_68 : vector<16xf32> to vector<16xf32>
      %get3A_70 = arith.index_cast %mul3A_60 : i32 to index
      %get3A_71 = tpu.vector_load %arg10[%get3A_70] {strides = array<i32>} : memref<512xi32, #tpu.memory_space<vmem>>, vector<16xi32>,
      %get3A_72 = vector.shape_cast %get3A_71 : vector<16xi32> to vector<16xi32>
      %convert_element_type3A_73 = arith.sitofp %get3A_72 : vector<16xi32> to vector<16xf32>
      %mul3A_74 = arith.mulf %get3A_66, %convert_element_type3A : vector<16xf32>
      %mul3A_75 = arith.mulf %mul3A_74, %get3A_42 : vector<16xf32>
      %neg3A = arith.constant 0.000000e+00 : f32
      %neg3A_76 = vector.broadcast %neg3A : f32 to vector<16xf32>
      %neg3A_77 = arith.subf %neg3A_76, %get3A_42 : vector<16xf32>
      %sub3A = arith.subf %get3A_69, %convert_element_type3A_73 : vector<16xf32>
      %abs3A = math.absf %sub3A : vector<16xf32>
      %mul3A_78 = arith.mulf %neg3A_77, %abs3A : vector<16xf32>
      %exp3A = math.exp %mul3A_78 : vector<16xf32>
      %mul3A_79 = arith.mulf %mul3A_75, %exp3A : vector<16xf32>
      %swap3A_80 = arith.index_cast %mul3A_60 : i32 to index
      %swap3A_81 = tpu.vector_load %arg18[%swap3A_80] {strides = array<i32>} : memref<512xf32, #tpu.memory_space<vmem>>, vector<16xf32>,
      %swap3A_82 = vector.shape_cast %swap3A_81 : vector<16xf32> to vector<16xf32>
      %swap3A_83 = vector.shape_cast %mul3A_79 : vector<16xf32> to vector<16xf32>
      tpu.vector_store %arg18[%swap3A_80], %swap3A_83 {strides = array<i32>} : memref<512xf32, #tpu.memory_space<vmem>>, vector<16xf32>,
      %scan3A_84 = arith.constant 1 : i32
      %scan3A_85 = arith.addi %scan3A_58, %scan3A_84 : i32
      %mul3A_86 = arith.constant 16 : i32
      %mul3A_87 = arith.muli %scan3A_85, %mul3A_86 : i32
      %get3A_88 = arith.index_cast %mul3A_87 : i32 to index
      %get3A_89 = tpu.vector_load %arg16[%get3A_88] {strides = array<i32>} : memref<512xi32, #tpu.memory_space<vmem>>, vector<16xi32>,
      %get3A_90 = vector.shape_cast %get3A_89 : vector<16xi32> to vector<16xi32>
      %convert_element_type3A_91 = arith.sitofp %get3A_90 : vector<16xi32> to vector<16xf32>
      %get3A_92 = arith.index_cast %mul3A_87 : i32 to index
      %get3A_93 = tpu.vector_load %arg17[%get3A_92] {strides = array<i32>} : memref<512xf32, #tpu.memory_space<vmem>>, vector<16xf32>,
      %get3A_94 = vector.shape_cast %get3A_93 : vector<16xf32> to vector<16xf32>
      %get3A_95 = arith.index_cast %mul3A_87 : i32 to index
      %get3A_96 = tpu.vector_load %arg12[%get3A_95] {strides = array<i32>} : memref<512xf32, #tpu.memory_space<vmem>>, vector<16xf32>,
      %get3A_97 = vector.shape_cast %get3A_96 : vector<16xf32> to vector<16xf32>
      %get3A_98 = arith.index_cast %mul3A_87 : i32 to index
      %get3A_99 = tpu.vector_load %arg10[%get3A_98] {strides = array<i32>} : memref<512xi32, #tpu.memory_space<vmem>>, vector<16xi32>,
      %get3A_100 = vector.shape_cast %get3A_99 : vector<16xi32> to vector<16xi32>
      %convert_element_type3A_101 = arith.sitofp %get3A_100 : vector<16xi32> to vector<16xf32>
      %mul3A_102 = arith.mulf %get3A_94, %convert_element_type3A_91 : vector<16xf32>
      %mul3A_103 = arith.mulf %mul3A_102, %get3A_42 : vector<16xf32>
      %neg3A_104 = arith.constant 0.000000e+00 : f32
      %neg3A_105 = vector.broadcast %neg3A_104 : f32 to vector<16xf32>
      %neg3A_106 = arith.subf %neg3A_105, %get3A_42 : vector<16xf32>
      %sub3A_107 = arith.subf %get3A_97, %convert_element_type3A_101 : vector<16xf32>
      %abs3A_108 = math.absf %sub3A_107 : vector<16xf32>
      %mul3A_109 = arith.mulf %neg3A_106, %abs3A_108 : vector<16xf32>
      %exp3A_110 = math.exp %mul3A_109 : vector<16xf32>
      %mul3A_111 = arith.mulf %mul3A_103, %exp3A_110 : vector<16xf32>
      %swap3A_112 = arith.index_cast %mul3A_87 : i32 to index
      %swap3A_113 = tpu.vector_load %arg18[%swap3A_112] {strides = array<i32>} : memref<512xf32, #tpu.memory_space<vmem>>, vector<16xf32>,
      %swap3A_114 = vector.shape_cast %swap3A_113 : vector<16xf32> to vector<16xf32>
      %swap3A_115 = vector.shape_cast %mul3A_111 : vector<16xf32> to vector<16xf32>
      tpu.vector_store %arg18[%swap3A_112], %swap3A_115 {strides = array<i32>} : memref<512xf32, #tpu.memory_space<vmem>>, vector<16xf32>,
    }
    %scan3A_57 = arith.constant 32 : i32
    "tpu.region"() ({
      %run_scoped3A = tpu.sem_alloc : memref<!tpu.dma_semaphore, #tpu.memory_space<semaphore_mem>>
      %dma_start3A_58 = tpu.memref_slice %arg9[%mul3A_2] : memref<16384xf32, #tpu.memory_space<hbm>> -> memref<512xf32, #tpu.memory_space<hbm>>
      %dma_start3A_59 = tpu.memref_slice %arg9[%mul3A_2] : memref<16384xf32, #tpu.memory_space<hbm>> -> memref<512xf32, #tpu.memory_space<hbm>>
      tpu.enqueue_dma source(%arg18 : memref<512xf32, #tpu.memory_space<vmem>>) target(%dma_start3A_59 : memref<512xf32, #tpu.memory_space<hbm>>) target_semaphore(%run_scoped3A : memref<!tpu.dma_semaphore, #tpu.memory_space<semaphore_mem>>)
      %dma_wait3A_60 = tpu.memref_slice %arg9[%mul3A_2] : memref<16384xf32, #tpu.memory_space<hbm>> -> memref<512xf32, #tpu.memory_space<hbm>>
      %dma_wait3A_61 = tpu.memref_slice %arg9[%mul3A_2] : memref<16384xf32, #tpu.memory_space<hbm>> -> memref<512xf32, #tpu.memory_space<hbm>>
      tpu.wait_dma2 semaphore(%run_scoped3A : memref<!tpu.dma_semaphore, #tpu.memory_space<semaphore_mem>>) src(%arg18 : memref<512xf32, #tpu.memory_space<vmem>>) dst(%dma_wait3A_61 : memref<512xf32, #tpu.memory_space<hbm>>)
      tpu.yield
    }) : () -> ()
    return
  }
}

</mosaic_0001>

<sc_bundles>
// kernel: kernel.3.cloned.1.call-start
scs
__scs_entry_jumppad:
0x0: {  	(pc) =	sbr.rel $0x88, $3  }
0x1: {  	(tag) =	ssettag $0x0;
	lr =	simm.s32 $0x1  }
0x2: {  	[smem:$0x3F9A] =	sst lr;
	_ =	strace $0xD0000000  }
0x3: {  	_ = 	snop  }
0x4: {  	_ = 	snop  }
0x5: {  	_ = 	snop  }
0x6: {  	_ = 	snop  }
0x7: {  	_ = 	snop  }
__scs_overlays_trampoline_lowered:
0x8: {  	[smem:$0x3FA9] =	sst s0  }
0x9: {  	[smem:$0x3FAA] =	sst s1  }
0xa: {  	[smem:$0x3FAB] =	sst s2  }
0xb: {  	[smem:$0x3FAC] =	sst s3  }
0xc: {  	[smem:$0x3FAD] =	sst s4  }
0xd: {  	[smem:$0x3FAE] =	sst s5  }
0xe: {  	[smem:$0x3FAF] =	sst s6  }
0xf: {  	[smem:$0x3FB0] =	sst s7  }
0x10: {  	[smem:$0x3FB1] =	sst s8  }
0x11: {  	[smem:$0x3FB2] =	sst s9;
	s0 =	simm.s32 @!p0 $0x0  }
0x12: {  	s1 =	sld [smem:$0x3F98];
	s0 =	simm.s32 @p0 $0x1  }
0x13: {  	[smem:$0x3FB3] =	sst s0;
	s0 =	simm.s32 @!p1 $0x0  }
0x14: {  	s2 =	sld [smem:$0x3F97];
	s0 =	simm.s32 @p1 $0x1  }
0x15: {  	[smem:$0x3FB4] =	sst s0;
	s0 =	simm.s32 @!p2 $0x0  }
0x16: {  	s3 =	sld [smem:$0x3FDB];
	s0 =	simm.s32 @p2 $0x1  }
0x17: {  	s4 =	simm.s32 $0x1BF5;
	[smem:$0x3FB6] =	sst s0  }
0x18: {  	s0 =	sld [smem:$0x3F99];
	_ =	swait.ge [sflag:s4], $0x0  }
0x19: {  	s7 =	sld [smem:$0x3F9A]  }
0x1a: {  	s8 =	sadd.s32 $0xFFFFE003, lr  }
0x1b: {  	s9 =	sadd.s32 $0xFFFFFEF7, lr;
	s5 =	simm.s32 $0xFFFFFFFF;
	p2 =	slt.u32 s8, $0xFFFFF086  }
0x1c: {  	p1 =	slt.u32 s9, $0xF7A;
	s5 =	simm.s32 @!p2 $0x0  }
0x1d: {  	s5 =	simm.s32 @p1 $0x1;
	p0 =	seq.s32 s7, s2  }
0x1e: {  	s7 =	smul.u32 @!p0 $0xF7A, s2;
	p2 =	seq.s32 @!p0 s5, $0x0  }
0x1f: {  	s9 =	smul.u32 $0xF7A, s1;
	s8 =	simm.s32 @!p0 $0x1BF5;
	p2 =	por !p2, p0  }
0x20: {  	[sflag:s8] =	ssyncset.s32 @!p0 $0xFFFFF086;
	s6 =	sadd.s32 @!p0 s3, s7;
	s7 =	simm.s32 @!p0 $0x108  }
0x21: {  	s3 =	sadd.s32 s3, s9;
	s6 =	sadd.s32 @!p0 $0x88, s6;
	s7 =	simm.s32 @p2 $0x1082  }
0x22: {  	[simem:s7], [sflag:s8] =	dma.local @!p0 [hbm:s6], $0xF7A  }
0x23: {  	s9 =	sor.u32 $0xD0000000, s2;
	s6 =	simm.s32 $0x108;
	_ =	swait.ge @!p0 [sflag:s8], $0x0  }
0x24: {  	s3 =	sadd.s32 $0x88, s3;
	s6 =	simm.s32 @!p1 $0x1082;
	[sflag:s4] =	ssyncset.s32 $0xFFFFF086  }
0x25: {  	[simem:s6], [sflag:s4] =	dma.local [hbm:s3], $0xF7A  }
0x26: {  	[smem:$0x3F9A] =	sst s1;
	(tag) =	ssettag s2;
	_ =	strace s9  }
0x27: {  	s1 =	sld [smem:$0x3FAA]  }
0x28: {  	s2 =	sld [smem:$0x3FAB]  }
0x29: {  	s4 =	sld [smem:$0x3FAD]  }
0x2a: {  	p0 =	seq.s32 s5, $0x0;
	s5 =	sld [smem:$0x3FAE]  }
0x2b: {  	s6 =	sld [smem:$0x3FAF]  }
0x2c: {  	s7 =	sld [smem:$0x3FB0]  }
0x2d: {  	s3 =	simm.s32 $0x108;
	s8 =	sld [smem:$0x3FB1]  }
0x2e: {  	s3 =	simm.s32 @!p0 $0x1082;
	s9 =	sld [smem:$0x3FB2]  }
0x2f: {  	lr =	sadd.s32 s0, s3;
	s0 =	sld [smem:$0x3FA9]  }
0x30: {  	s3 =	sld [smem:$0x3FAC]  }
0x31: {  	[smem:$0x3FB5] =	sst s10  }
0x32: {  	s10 =	sld [smem:$0x3FB3];
	_ =	sdelay $0x3  }
0x33: {  	p0 =	seq.s32 s10, $0x1;
	s10 =	sld [smem:$0x3FB5];
	_ =	sdelay $0x3  }
0x34: {  	[smem:$0x3FB5] =	sst s10  }
0x35: {  	s10 =	sld [smem:$0x3FB4];
	_ =	sdelay $0x3  }
0x36: {  	p1 =	seq.s32 s10, $0x1;
	s10 =	sld [smem:$0x3FB5];
	_ =	sdelay $0x3  }
0x37: {  	[smem:$0x3FB5] =	sst s10  }
0x38: {  	s10 =	sld [smem:$0x3FB6]  }
0x39: {  	_ = 	snop;
	(pc) =	sbr.ind lr, $3  }
0x3a: {  	_ = 	snop  }
0x3b: {  	_ = 	snop  }
0x3c: {  	p2 =	seq.s32 s10, $0x1;
	s10 =	sld [smem:$0x3FB5]  }
0x3d: {  	_ =	shalt  }
0x3e: {  	_ =	shalt  }
0x3f: {  	_ =	shalt  }
0x40: {  	_ =	shalt  }
0x41: {  	_ =	shalt  }
0x42: {  	_ =	shalt  }
0x43: {  	_ =	shalt  }
0x44: {  	_ =	shalt  }
0x45: {  	_ =	shalt  }
0x46: {  	_ =	shalt  }
0x47: {  	_ =	shalt  }
0x48: {  	_ =	shalt  }
0x49: {  	_ =	shalt  }
0x4a: {  	_ =	shalt  }
0x4b: {  	_ =	shalt  }
0x4c: {  	_ =	shalt  }
0x4d: {  	_ =	shalt  }
0x4e: {  	_ =	shalt  }
0x4f: {  	_ =	shalt  }
0x50: {  	_ =	shalt  }
0x51: {  	_ =	shalt  }
0x52: {  	_ =	shalt  }
0x53: {  	_ =	shalt  }
0x54: {  	_ =	shalt  }
0x55: {  	_ =	shalt  }
0x56: {  	_ =	shalt  }
0x57: {  	_ =	shalt  }
0x58: {  	_ =	shalt  }
0x59: {  	_ =	shalt  }
0x5a: {  	_ =	shalt  }
0x5b: {  	_ =	shalt  }
0x5c: {  	_ =	shalt  }
0x5d: {  	_ =	shalt  }
0x5e: {  	_ =	shalt  }
0x5f: {  	_ =	shalt  }
0x60: {  	_ =	shalt  }
0x61: {  	_ =	shalt  }
0x62: {  	_ =	shalt  }
0x63: {  	_ =	shalt  }
0x64: {  	_ =	shalt  }
0x65: {  	_ =	shalt  }
0x66: {  	_ =	shalt  }
0x67: {  	_ =	shalt  }
0x68: {  	_ =	shalt  }
0x69: {  	_ =	shalt  }
0x6a: {  	_ =	shalt  }
0x6b: {  	_ =	shalt  }
0x6c: {  	_ =	shalt  }
0x6d: {  	_ =	shalt  }
0x6e: {  	_ =	shalt  }
0x6f: {  	_ =	shalt  }
0x70: {  	_ =	shalt  }
0x71: {  	_ =	shalt  }
0x72: {  	_ =	shalt  }
0x73: {  	_ =	shalt  }
0x74: {  	_ =	shalt  }
0x75: {  	_ =	shalt  }
0x76: {  	_ =	shalt  }
0x77: {  	_ =	shalt  }
0x78: {  	_ =	shalt  }
0x79: {  	_ =	shalt  }
0x7a: {  	_ =	shalt  }
0x7b: {  	_ =	shalt  }
0x7c: {  	_ =	shalt  }
0x7d: {  	_ =	shalt  }
0x7e: {  	_ =	shalt  }
0x7f: {  	_ =	shalt  }
0x80: {  	_ =	shalt  }
0x81: {  	_ =	shalt  }
0x82: {  	_ =	shalt  }
0x83: {  	_ =	shalt  }
0x84: {  	_ =	shalt  }
0x85: {  	_ =	shalt  }
0x86: {  	_ =	shalt  }
0x87: {  	_ =	shalt  }
.Lfunc_end0:
.L_simem_size_0:
called_computation_lowered:
.L_overlay_start_0:
0x88: {  	s2 =	sld [smem:$0x3FD9]  }
0x89: {  	s3 =	sld [smem:$0x3FFE];
	_ =	sdelay $0x1  }
0x8a: {  	s1 =	srdreg.scid  }
0x8b: {  	s0 =	sand.u32 $0x1, s1  }
0x8c: {  	s18 =	sshll.u32 s0, $0xA;
	s2 =	sadd.s32 s3, s2  }
0x8d: {  	s2 =	sadd.s32 s2, s18  }
0x8e: {  	[smem:$0x3FC1] =	sst s2  }
0x8f: {  	_ = 	snop  }
0x90: {  	s2 =	sld [smem:$0x3FC9]  }
0x91: {  	s19 =	sld [smem:$0x3FC8]  }
0x92: {  	s4 =	sld [smem:$0x3FC7]  }
0x93: {  	s5 =	sld [smem:$0x3FC6]  }
0x94: {  	s6 =	sld [smem:$0x3FC5]  }
0x95: {  	s7 =	sld [smem:$0x3FC4]  }
0x96: {  	s8 =	sld [smem:$0x3FC3]  }
0x97: {  	s9 =	sld [smem:$0x3FD0];
	(tm) =	ssettm $0x1  }
0x98: {  	s10 =	sld [smem:$0x3FFB];
	_ =	sdelay $0x3  }
0x99: {  	_ =	strace s10  }
0x9a: {  	s10 =	sld [smem:$0x3FFC];
	_ =	sdelay $0x3  }
0x9b: {  	_ =	strace s10  }
0x9c: {  	s10 =	sld [smem:$0x3FFD];
	_ =	sdelay $0x3  }
0x9d: {  	_ =	strace s10  }
0x9e: {  	_ =	strace $0x8FFFFFFF  }
0x9f: {  	s20 =	sld [smem:$0x3FDB];
	_ =	sdelay $0x1  }
0xa0: {  	s11 =	simm.s32 $_scs_section_size  }
0xa1: {  	s12 =	simm.s32 $_size__tile_overlayer_lowered;
	s13 =	simm.s32 $_tile_overlayer_lowered  }
0xa2: {  	s23 =	simm.s32 $0x1BFF;
	s22 =	sshll.u32 s13, $0x1;
	s10 =	sadd.s32 s11, s20  }
0xa3: {  	s14 =	simm.s32 $0x0;
	s21 =	sshll.u32 s12, $0x1;
	s12 =	sadd.s32 s22, s10  }
0xa4: {  	[timem:s14], [sflag:s23] =	dma.local [hbm:s12], s21  }
0xa5: {  	_ =	swait.ge [sflag:s23], s21  }
0xa6: {  	s11 =	ssub.s32 $0x0, s21;
	[sflag:s23] =	ssyncset.done $0x0  }
0xa7: {  	[sflag:s23] =	ssyncadd.s32 s11;
	_ =	sdelay $0x1  }
0xa8: {  	s24 =	simm.s32 $0x1B8B  }
0xa9: {  	_ =	swait.ge [sflag:s24], $0x1  }
0xaa: {  	[sflag:s24] =	ssyncset.done $0x0  }
0xab: {  	s25 =	simm.s32 $0x1B8E;
	[sflag:s24] =	ssyncadd.s32 $0xFFFFFFFF  }
0xac: {  	s26 =	simm.s32 $execute0_lowered;
	[smem:$0x3FD2] =	sst s25  }
0xad: {  	s11 =	sshll.u32 s26, $0x1;
	_ =	strace $0x80000046;
	[dreg:$0x1] =	wrdreg $0xFFFFFFFF  }
0xae: {  	s28 =	simm.s32 $_size_execute0_lowered;
	s10 =	sadd.s32 s10, s11;
	[dreg:$0x0] =	wrdreg $0x0  }
0xaf: {  	s11 =	sshll.u32 s28, $0x1;
	[dreg:$0x2] =	wrdreg s10  }
0xb0: {  	[dreg:$0x3] =	wrdreg s11  }
0xb1: {  	[dreg:$0x4] =	wrdreg $0xC0  }
0xb2: {  	_ =	task [dreg:s14], $0x5FFFF  }
0xb3: {  	[dreg:$0x1] =	wrdreg $0xFFFFFFFF  }
0xb4: {  	[dreg:$0x0] =	wrdreg $0x60  }
0xb5: {  	[dreg:$0x2] =	wrdreg s2  }
0xb6: {  	[dreg:$0x3] =	wrdreg s19  }
0xb7: {  	[dreg:$0x4] =	wrdreg s4  }
0xb8: {  	[dreg:$0x5] =	wrdreg s5  }
0xb9: {  	[dreg:$0x6] =	wrdreg s6  }
0xba: {  	[dreg:$0x7] =	wrdreg s7  }
0xbb: {  	[dreg:$0x8] =	wrdreg s8  }
0xbc: {  	[dreg:$0x9] =	wrdreg s9  }
0xbd: {  	[dreg:$0xa] =	wrdreg $0x9  }
0xbe: {  	_ =	task.clear_ibuf [dreg:s14], $0xBFFFF;
	_ =	strace $0x90000046  }
0xbf: {  	s29 =	simm.s32 $0x9;
	_ =	strace $0x80000048  }
0xc0: {  	_ =	swait.ge [sflag:s29], $0x1  }
0xc1: {  	[sflag:s29] =	ssyncadd.s32 $0xFFFFFFFF  }
0xc2: {  	_ =	strace $0x90000048  }
0xc3: {  	_ =	sfence  }
0xc4: {  	s30 =	sld [smem:$0x0];
	_ =	sdelay $0x2  }
0xc5: {  	s31 =	sshll.u32 s1, $0xD;
	s1 =	sshrl.u32 s1, $0x2  }
0xc6: {  	s3 =	sand.u32 $0x4000, s31;
	s1 =	sadd.s32 s1, s30  }
0xc7: {  	s0 =	sor.u32 s3, s0;
	s1 =	sshll.u32 s1, $0x11  }
0xc8: {  	s0 =	sor.u32 s1, s0  }
0xc9: {  	s0 =	sadd.s32 $0x8F2B, s0  }
0xca: {  	[sflag:s0] =	ssyncadd.remote.s32 $0x1  }
0xcb: {  	_ =	sfence.sel $0xFFFF  }
0xcc: {  	[dreg:$0x0] =	wrdreg $0xFFFFFFFF;
	(pc) =	sbr.abs _section_cstart, $3  }
0xcd: {  	[dreg:$0x1] =	wrdreg $0xFFFFFFFF  }
0xce: {  	_ =	task.clear_ibuf [dreg:s14], $0x2FFFF;
	_ =	strace $0x9FFFFFFF  }
0xcf: {  	(tm) =	ssettm $0x7FFFFFFF  }
tec
execute0_lowered:
.L_overlay_start_1:
0x0: {  	(tag) =	ssettag $0x1  }
0x1: {  	s0 =	rddreg [dreg:$0x0]  }
0x2: {  	s1 =	rddreg [dreg:$0x1]  }
0x3: {  	s2 =	rddreg [dreg:$0x2]  }
0x4: {  	s3 =	rddreg [dreg:$0x3]  }
0x5: {  	s4 =	rddreg [dreg:$0x7];
	s6 =	srdreg.scid  }
0x6: {  	s5 =	simm.s32 $0x0;
	s8 =	stileid.u32;
	s12 =	simm.s32 $0x1280  }
0x7: {  	s13 =	simm.s32 $0x1200;
	s14 =	simm.s32 $0x200;
	s15 =	simm.s32 $0x400  }
0x8: {  	s16 =	simm.s32 $0x600;
	s17 =	simm.s32 $0x1;
	s18 =	simm.s32 $0x800  }
0x9: {  	s19 =	simm.s32 $0xC00;
	s20 =	simm.s32 $0xA00;
	s21 =	simm.s32 $0xE00  }
0xa: {  	s22 =	simm.s32 $0x2;
	s23 =	simm.s32 $0x3;
	s24 =	simm.s32 $0x4  }
0xb: {  	s25 =	simm.s32 $0x1000;
	s26 =	simm.s32 $0x5;
	s6 =	sand.u32 $0x1, s6  }
0xc: {  	s28 =	simm.s32 $0x0;
	s8 =	sshll.u32 s8, $0x7;
	s7 =	ssub.s32 $0x2, s6  }
0xd: {  	[smem:$0x7FF] =	sst s5;
	s6 =	sshll.u32 s6, $0x6;
	s9 =	sshrl.u32 s7, $0x1  }
0xe: {  	_ =	strace $0x80000047;
	s10 =	sor.u32 s6, s8;
	s11 =	ssub.s32 s7, s9  }
0xf: {  	s6 =	sadd.s32 s0, s10;
	s7 =	sadd.s32 s1, s10;
	s8 =	sadd.s32 s2, s10  }
0x10: {  	v0 =	vimm.s32 $0x0;
	s9 =	sadd.s32 s3, s10;
	s10 =	sadd.s32 s4, s10;
	s11 =	smax.u32 s11, $0x1  }
.LBB2_1:
0x11: {  	[tilespmem:$0x1280] =	vst v0;
	s1 =	simm.s32 $0x10;
	s0 =	rddreg [dreg:$0x6]  }
0x12: {  	[tilespmem:s13], [sflag:$0x2] =	stream.indirect.gather [hbm4b:s0+s1], $0x1, s12, s1, $0xb8;
	[tilespmem:$0x1300] =	vst v63  }
0x13: {  	_ = 	snop  }
0x14: {  	[tilespmem:s5], [sflag:$0x1] =	stream.linear.gather [hbm4b:s6+s5], $0x200, $0x38;
	[tilespmem:$0x1300] =	vst v63  }
0x15: {  	_ = 	snop  }
0x16: {  	[tilespmem:s14], [sflag:$0x1] =	stream.linear.gather [hbm4b:s7+s5], $0x200, $0x38;
	[tilespmem:$0x1300] =	vst v63  }
0x17: {  	_ = 	snop  }
0x18: {  	[tilespmem:s15], [sflag:$0x1] =	stream.linear.gather [hbm4b:s8+s5], $0x200, $0x38;
	[tilespmem:$0x1300] =	vst v63  }
0x19: {  	_ = 	snop  }
0x1a: {  	[tilespmem:s16], [sflag:$0x1] =	stream.linear.gather [hbm4b:s9+s5], $0x200, $0x38;
	[tilespmem:$0x1300] =	vst v63  }
0x1b: {  	_ =	swait.ge [sflag:s17], $0x200  }
0x1c: {  	[sflag:s17] =	ssyncset.done $0x0  }
0x1d: {  	[sflag:s17] =	ssyncadd.s32 $0xFFFFFE00  }
0x1e: {  	_ =	swait.ge [sflag:s17], $0x200  }
0x1f: {  	[sflag:s17] =	ssyncset.done $0x0  }
0x20: {  	[sflag:s17] =	ssyncadd.s32 $0xFFFFFE00  }
0x21: {  	_ =	swait.ge [sflag:s17], $0x200  }
0x22: {  	[sflag:s17] =	ssyncset.done $0x0  }
0x23: {  	[sflag:s17] =	ssyncadd.s32 $0xFFFFFE00  }
0x24: {  	_ =	swait.ge [sflag:s17], $0x200  }
0x25: {  	[sflag:s17] =	ssyncset.done $0x0  }
0x26: {  	[sflag:s17] =	ssyncadd.s32 $0xFFFFFE00  }
0x27: {  	s2 =	simm.s32 $0x210;
	v1 =	vld [tilespmem:s1+$0xFFFFFFF0]  }
0x28: {  	v2 =	vld [tilespmem:s2+$0xFFFFFFF0];
	_ =	sdelay $0x2  }
0x29: {  	s3 =	simm.s32 $0x610  }
0x2a: {  	v3 =	vld [tilespmem:s3+$0xFFFFFFF0];
	v4 =	vshll.u32 v1, $0xA  }
0x2b: {  	v1 =	vshll.u32 v1, $0x7;
	v5 =	vshll.u32 v2, $0x3;
	v6 =	vand.u32 $0x7F, v2  }
0x2c: {  	v4 =	vand.u32 $0xFFFFE000, v4;
	v1 =	vand.u32 $0x380, v1;
	v5 =	vand.u32 $0xFFFFFC00, v5  }
0x2d: {  	v1 =	vor.u32 v4, v1;
	v4 =	vshll.u32 v2, $0x7;
	v2 =	vshll.u32 v2, $0xA  }
0x2e: {  	v1 =	vor.u32 v6, v1;
	v2 =	vand.u32 $0xFFFFE000, v2;
	v4 =	vand.u32 $0x380, v4  }
0x2f: {  	v6 =	vshll.u32 v3, $0x3;
	v3 =	vand.u32 $0x7F, v3;
	v2 =	vor.u32 v2, v4  }
0x30: {  	s29 =	simm.s32 $0x810;
	v1 =	vor.u32 v5, v1;
	v4 =	vand.u32 $0xFFFFFC00, v6;
	v2 =	vor.u32 v3, v2  }
0x31: {  	s0 =	simm.s32 $0xA10;
	[tilespmem:s29+$0xFFFFFFF0] =	vst v1;
	v1 =	vor.u32 v4, v2  }
0x32: {  	[tilespmem:s0+$0xFFFFFFF0] =	vst v1  }
0x33: {  	v1 =	vld [tilespmem:s1+$0x0];
	_ =	sdelay $0x4  }
0x34: {  	v5 =	vld [tilespmem:s2+$0x0];
	v2 =	vshll.u32 v1, $0xA;
	v1 =	vshll.u32 v1, $0x7  }
0x35: {  	v2 =	vand.u32 $0xFFFFE000, v2;
	v1 =	vand.u32 $0x380, v1  }
0x36: {  	v2 =	vor.u32 v2, v1;
	v1 =	vld [tilespmem:s3+$0x0];
	_ =	sdelay $0x2  }
0x37: {  	s30 =	simm.s32 $0x0;
	s4 =	simm.s32 $0x630;
	s31 =	simm.s32 $0xA10;
	v3 =	vand.u32 $0x7F, v5;
	v4 =	vshll.u32 v5, $0x3;
	v6 =	vshll.u32 v5, $0xA  }
0x38: {  	s2 =	simm.s32 $0x230;
	s1 =	simm.s32 $0x810;
	v5 =	vshll.u32 v5, $0x7;
	s3 =	simm.s32 $0x30;
	v2 =	vor.u32 v3, v2;
	v3 =	vand.u32 $0xFFFFE000, v6  }
.LBB2_2:
0x39: {  	s30 =	sadd.s32 $0x2, s30;
	v4 =	vand.u32 $0xFFFFFC00, v4;
	v6 =	vshll.u32 v1, $0x3;
	v5 =	vand.u32 $0x380, v5;
	s0 =	sadd.s32 $0x20, s0;
	s29 =	sadd.s32 $0x20, s29  }
0x3a: {  	v1 =	vand.u32 $0x7F, v1;
	p0 =	slt.u32 s30, $0x1E;
	v2 =	vor.u32 v4, v2;
	v3 =	vor.u32 v3, v5  }
0x3b: {  	[tilespmem:s1+$0x0] =	vst v2;
	v2 =	vand.u32 $0xFFFFFC00, v6;
	v1 =	vor.u32 v1, v3;
	s1 =	smov.u32 s29  }
0x3c: {  	v1 =	vor.u32 v2, v1  }
0x3d: {  	[tilespmem:s31+$0x0] =	vst v1;
	s31 =	smov.u32 s0  }
0x3e: {  	v1 =	vld [tilespmem:s3+$0xFFFFFFF0]  }
0x3f: {  	v2 =	vld [tilespmem:s2+$0xFFFFFFF0];
	_ =	sdelay $0x3  }
0x40: {  	v3 =	vld [tilespmem:s4+$0xFFFFFFF0];
	v4 =	vshll.u32 v1, $0xA;
	v1 =	vshll.u32 v1, $0x7  }
0x41: {  	v4 =	vand.u32 $0xFFFFE000, v4;
	v5 =	vshll.u32 v2, $0x3;
	v1 =	vand.u32 $0x380, v1  }
0x42: {  	v6 =	vand.u32 $0x7F, v2;
	v1 =	vor.u32 v4, v1;
	v4 =	vshll.u32 v2, $0x7  }
0x43: {  	v5 =	vand.u32 $0xFFFFFC00, v5;
	v2 =	vshll.u32 v2, $0xA;
	v1 =	vor.u32 v6, v1  }
0x44: {  	v2 =	vand.u32 $0xFFFFE000, v2;
	v4 =	vand.u32 $0x380, v4;
	v1 =	vor.u32 v5, v1  }
0x45: {  	v2 =	vor.u32 v2, v4;
	v5 =	vshll.u32 v3, $0x3;
	v3 =	vand.u32 $0x7F, v3  }
0x46: {  	v4 =	vand.u32 $0xFFFFFC00, v5;
	v2 =	vor.u32 v3, v2  }
0x47: {  	[tilespmem:s29+$0xFFFFFFF0] =	vst v1;
	v1 =	vor.u32 v4, v2  }
0x48: {  	[tilespmem:s0+$0xFFFFFFF0] =	vst v1  }
0x49: {  	v2 =	vld [tilespmem:s3+$0x0]  }
0x4a: {  	v5 =	vld [tilespmem:s2+$0x0];
	_ =	sdelay $0x2  }
.Ltmp0:
0x4b: {  	v1 =	vld [tilespmem:s4+$0x0];
	(pc) =	sbr.rel @p0 .LBB2_2-.Ltmp0, $4  }
0x4c: {  	v3 =	vshll.u32 v2, $0xA;
	v2 =	vshll.u32 v2, $0x7  }
0x4d: {  	v3 =	vand.u32 $0xFFFFE000, v3;
	v2 =	vand.u32 $0x380, v2;
	v6 =	vand.u32 $0x7F, v5  }
0x4e: {  	v4 =	vshll.u32 v5, $0x3;
	v2 =	vor.u32 v3, v2;
	v3 =	vshll.u32 v5, $0xA  }
0x4f: {  	s3 =	sadd.s32 $0x20, s3;
	s2 =	sadd.s32 $0x20, s2;
	s4 =	sadd.s32 $0x20, s4;
	v5 =	vshll.u32 v5, $0x7;
	v2 =	vor.u32 v6, v2;
	v3 =	vand.u32 $0xFFFFE000, v3  }
0x50: {  	v4 =	vand.u32 $0xFFFFFC00, v4;
	v5 =	vand.u32 $0x380, v5  }
0x51: {  	v6 =	vshll.u32 v1, $0x3;
	v1 =	vand.u32 $0x7F, v1;
	v3 =	vor.u32 v3, v5  }
0x52: {  	v2 =	vor.u32 v4, v2;
	v58 =	vand.u32 $0xFFFFFC00, v6;
	v1 =	vor.u32 v1, v3  }
0x53: {  	[tilespmem:s1+$0x0] =	vst v2;
	v1 =	vor.u32 v58, v1  }
0x54: {  	s0 =	rddreg [dreg:$0x4];
	[tilespmem:s31+$0x0] =	vst v1  }
0x55: {  	[tilespmem:s19], [sflag:$0x3] =	stream.indirect.gather [hbm4b:s0+s14], $0x1, s18, s14, $0xb8;
	[tilespmem:$0x1300] =	vst v63  }
0x56: {  	s3 =	rddreg [dreg:$0x5]  }
0x57: {  	[tilespmem:s21], [sflag:$0x4] =	stream.indirect.gather [hbm4b:s3+s14], $0x1, s20, s14, $0xb8;
	[tilespmem:$0x1300] =	vst v63  }
0x58: {  	_ =	swait.ge [sflag:s22], $0x10  }
0x59: {  	[sflag:s22] =	ssyncset.done $0x0  }
0x5a: {  	[sflag:s22] =	ssyncadd.s32 $0xFFFFFFF0  }
0x5b: {  	v1 =	vld [tilespmem:$0x1200];
	_ =	swait.ge [sflag:s23], $0x200  }
0x5c: {  	[sflag:s23] =	ssyncset.done $0x0  }
0x5d: {  	[sflag:s23] =	ssyncadd.s32 $0xFFFFFE00  }
0x5e: {  	_ =	swait.ge [sflag:s24], $0x200  }
0x5f: {  	[sflag:s24] =	ssyncset.done $0x0  }
0x60: {  	s4 =	simm.s32 $0x10;
	[sflag:s24] =	ssyncadd.s32 $0xFFFFFE00  }
0x61: {  	v2 =	vld [tilespmem:s4+$0xFFFFFFF0]  }
0x62: {  	s29 =	simm.s32 $0x410  }
0x63: {  	v3 =	vld [tilespmem:s29+$0xFFFFFFF0];
	_ =	sdelay $0x2  }
0x64: {  	v2 =	vcvt.s32.f32 v2;
	_ =	sdelay $0x1  }
0x65: {  	v3 =	vsub.f32 v3, v2  }
0x66: {  	v2 =	vsub.f32 $0.0e+00, v1  }
0x67: {  	v3 =	vand.u32 $0x7FFFFFFF, v3  }
0x68: {  	v3 =	vmul.f32 v3, v2;
	_ =	sdelay $0x1  }
0x69: {  	s30 =	simm.s32 $0xC10;
	v3 =	vmul.f32 $1.442695020e+00, v3  }
0x6a: {  	v59 =	vld [tilespmem:s30+$0xFFFFFFF0]  }
0x6b: {  	s31 =	simm.s32 $0xE10;
	(erf) = vpow2.f32 v3  }
0x6c: {  	v3 =	vld [tilespmem:s31+$0xFFFFFFF0];
	_ =	sdelay $0x2  }
0x6d: {  	v4 =	vcvt.s32.f32 v59;
	_ =	sdelay $0x1  }
0x6e: {  	v3 =	vmul.f32 v4, v3;
	_ =	sdelay $0x1  }
0x6f: {  	v3 =	vmul.f32 v3, v1  }
0x70: {  	v60 =	vpop (erf)  }
0x71: {  	v3 =	vmul.f32 v60, v3  }
0x72: {  	s0 =	simm.s32 $0x1010  }
0x73: {  	[tilespmem:s0+$0xFFFFFFF0] =	vst v3  }
0x74: {  	v3 =	vld [tilespmem:s4+$0x0];
	_ =	sdelay $0x1  }
0x75: {  	v61 =	vld [tilespmem:s29+$0x0];
	_ =	sdelay $0x2  }
0x76: {  	v3 =	vcvt.s32.f32 v3;
	_ =	sdelay $0x1  }
0x77: {  	v3 =	vsub.f32 v61, v3;
	_ =	sdelay $0x1  }
0x78: {  	v3 =	vand.u32 $0x7FFFFFFF, v3  }
0x79: {  	v3 =	vmul.f32 v3, v2;
	_ =	sdelay $0x1  }
0x7a: {  	v3 =	vmul.f32 $1.442695020e+00, v3  }
0x7b: {  	v62 =	vld [tilespmem:s30+$0x0]  }
0x7c: {  	(erf) = vpow2.f32 v3  }
0x7d: {  	v3 =	vld [tilespmem:s31+$0x0];
	_ =	sdelay $0x2  }
0x7e: {  	v4 =	vcvt.s32.f32 v62;
	_ =	sdelay $0x1  }
0x7f: {  	v3 =	vmul.f32 v4, v3;
	_ =	sdelay $0x1  }
0x80: {  	v3 =	vmul.f32 v3, v1  }
0x81: {  	v63 =	vpop (erf)  }
0x82: {  	v3 =	vmul.f32 v63, v3;
	_ =	sdelay $0x1  }
0x83: {  	s1 =	simm.s32 $0x30;
	s4 =	simm.s32 $0x0;
	[tilespmem:s0+$0x0] =	vst v3  }
.LBB2_4:
0x84: {  	v3 =	vld [tilespmem:s1+$0xFFFFFFF0];
	s4 =	sadd.s32 $0x2, s4;
	s29 =	sadd.s32 $0x20, s29  }
0x85: {  	s30 =	sadd.s32 $0x20, s30;
	v4 =	vld [tilespmem:s29+$0xFFFFFFF0];
	p0 =	slt.u32 s4, $0x1E  }
0x86: {  	s31 =	sadd.s32 $0x20, s31;
	v5 =	vld [tilespmem:s30+$0xFFFFFFF0]  }
0x87: {  	v6 =	vld [tilespmem:s31+$0xFFFFFFF0];
	_ =	sdelay $0x1  }
0x88: {  	v3 =	vcvt.s32.f32 v3;
	_ =	sdelay $0x1  }
0x89: {  	v3 =	vsub.f32 v4, v3;
	_ =	sdelay $0x1  }
0x8a: {  	v3 =	vand.u32 $0x7FFFFFFF, v3  }
0x8b: {  	v3 =	vmul.f32 v3, v2;
	_ =	sdelay $0x1  }
0x8c: {  	v3 =	vmul.f32 $1.442695020e+00, v3;
	_ =	sdelay $0x1  }
0x8d: {  	(erf) = vpow2.f32 v3;
	_ =	sdelay $0x3  }
0x8e: {  	v3 =	vcvt.s32.f32 v5;
	_ =	sdelay $0x1  }
0x8f: {  	v3 =	vmul.f32 v3, v6;
	_ =	sdelay $0x1  }
0x90: {  	v3 =	vmul.f32 v3, v1  }
0x91: {  	v4 =	vpop (erf)  }
0x92: {  	v3 =	vmul.f32 v4, v3  }
0x93: {  	s0 =	sadd.s32 $0x20, s0  }
0x94: {  	[tilespmem:s0+$0xFFFFFFF0] =	vst v3  }
0x95: {  	v3 =	vld [tilespmem:s1+$0x0]  }
0x96: {  	v4 =	vld [tilespmem:s29+$0x0]  }
0x97: {  	v5 =	vld [tilespmem:s30+$0x0]  }
0x98: {  	v6 =	vld [tilespmem:s31+$0x0];
	_ =	sdelay $0x1  }
0x99: {  	v3 =	vcvt.s32.f32 v3;
	_ =	sdelay $0x1  }
0x9a: {  	v3 =	vsub.f32 v4, v3;
	_ =	sdelay $0x1  }
0x9b: {  	v3 =	vand.u32 $0x7FFFFFFF, v3  }
0x9c: {  	v3 =	vmul.f32 v3, v2;
	_ =	sdelay $0x1  }
0x9d: {  	v3 =	vmul.f32 $1.442695020e+00, v3;
	_ =	sdelay $0x1  }
0x9e: {  	(erf) = vpow2.f32 v3;
	_ =	sdelay $0x3  }
0x9f: {  	v3 =	vcvt.s32.f32 v5;
	_ =	sdelay $0x1  }
0xa0: {  	v3 =	vmul.f32 v3, v6;
	_ =	sdelay $0x1  }
.Ltmp1:
0xa1: {  	v3 =	vmul.f32 v3, v1;
	(pc) =	sbr.rel @p0 .LBB2_4-.Ltmp1, $3  }
0xa2: {  	v4 =	vpop (erf)  }
0xa3: {  	v3 =	vmul.f32 v4, v3;
	_ =	sdelay $0x1  }
0xa4: {  	s1 =	sadd.s32 $0x20, s1;
	[tilespmem:s0+$0x0] =	vst v3  }
0xa5: {  	s28 =	sadd.s32 $0x1, s28  }
0xa6: {  	p0 =	sne.s32 s28, s11  }
.Ltmp2:
0xa7: {  	_ = 	snop;
	(pc) =	sbr.rel @p0 .LBB2_1-.Ltmp2, $4  }
0xa8: {  	[hbm4b:s10+s5] =	stream.linear.scatter [tilespmem:s25], [sflag:$0x5], $0x200, $0x38;
	[tilespmem:$0x1300] =	vst v63  }
0xa9: {  	_ =	swait.ge [sflag:s26], $0x200  }
0xaa: {  	[sflag:s26] =	ssyncset.done $0x0  }
0xab: {  	[sflag:s26] =	ssyncadd.s32 $0xFFFFFE00  }
0xac: {  	_ =	sfence.sel $0x180000  }
0xad: {  	[bflag:$0x0] =	sbarrier.arrive $0xFFFF  }
0xae: {  	_ =	strace $0x90000047  }
0xaf: {  	s0 =	stileid.u32;
	[bflag:$0x2] =	sbarrier.arrive $0xFFFF  }
0xb0: {  	p0 =	sne.s32 s0, $0x0;
	s0 =	rddreg [dreg:$0x8]  }
0xb1: {  	s0 =	sadd.s32 @!p0 $0x100000, s0  }
0xb2: {  	[sflag:s0] =	ssyncadd.tile.s32 @!p0 $0x1;
	_ =	shalt  }
.Lfunc_end2:
_tile_overlayer_lowered:
.L_overlay_start_2:
0xb3: {  	(tag) =	ssettag $0x2  }
0xb4: {  	s0 =	rddreg [dreg:$0x0];
	s2 =	stileid.u32  }
0xb5: {  	s1 =	rddreg [dreg:$0x1];
	p0 =	sne.s32 s2, $0x0  }
0xb6: {  	s3 =	rddreg [dreg:$0x2];
	[bflag:$0x3] =	sbarrier.arrive $0xFFFF;
	s2 =	simm.s32 @!p0 $0x1C05  }
0xb7: {  	[timem:s3], [sflag:s2] =	dma.local @!p0 [hbm:s0], s1  }
0xb8: {  	s0 =	simm.s32 @!p0 $0x5  }
0xb9: {  	_ =	swait.ge @!p0 [sflag:s0], s1  }
0xba: {  	s1 =	ssub.s32 @!p0 $0x0, s1;
	[sflag:s0] =	ssyncset.done @!p0 $0x0  }
0xbb: {  	[sflag:s0] =	ssyncadd.s32 @!p0 s1  }
0xbc: {  	[bflag:$0x3] =	sbarrier.arrive $0xFFFF  }
0xbd: {  	_ =	shalt  }

</sc_bundles>
